<compile_context>
chip_gen: v7x
topology: tpu7x:2x2x1
jax: 0.10.2.dev20260603
libtpu: 0.0.44.dev20260713+nightly
codegen_flags: <defaults>
</compile_context>

<pallas_src>
import functools

import jax
import jax.numpy as jnp
from jax import lax
from jax.experimental import pallas as pl
from jax.experimental.pallas import tpu as pltpu
from jax.experimental.pallas import tpu_sc as plsc

NUM_CLASSES = 1000
K = NUM_CLASSES + 1
D = 128
B = 4096

NC = 2
NS = 16
NW = NC * NS
BPW = B // NW

INTER_CLASS_WEIGHT = 0.001
EPS = 1e-05
DIAG_OFFSET = 100000.0


def _sc_intra_body(logits_hbm, labels_hbm, centers_hbm, out_hbm,
                   idx_v, rows_v, log_v, acc_v,
                   sem_log, *sem_rows):
    wid = lax.axis_index("s") * NC + lax.axis_index("c")
    base = wid * BPW

    cp_log = pltpu.async_copy(logits_hbm.at[pl.ds(base, BPW), :], log_v,
                              sem_log)
    pltpu.sync_copy(labels_hbm.at[pl.ds(base, BPW)], idx_v)
    cp_rows = pltpu.async_copy(centers_hbm.at[idx_v], rows_v, sem_rows[0])
    cp_log.wait()
    cp_rows.wait()

    zero = jnp.zeros((16,), jnp.float32)

    def row_body(i, carry):
        a0, a1 = carry
        r = i * 2
        for rr in (r, r + 1):
            for c in range(D // 16):
                d = log_v[rr, pl.ds(c * 16, 16)] - rows_v[rr, pl.ds(c * 16, 16)]
                if c % 2 == 0:
                    a0 = a0 + d * d
                else:
                    a1 = a1 + d * d
        return a0, a1

    a0, a1 = lax.fori_loop(0, BPW // 2, row_body, (zero, zero))
    acc_v[...] = a0 + a1
    pltpu.sync_copy(acc_v, out_hbm.at[wid])


@jax.jit
def _sc_intra(logits, labels, centers):
    mesh = plsc.VectorSubcoreMesh(core_axis_name="c", subcore_axis_name="s")
    kern = functools.partial(
        pl.kernel,
        mesh=mesh,
        out_type=jax.ShapeDtypeStruct((NW, 16), jnp.float32),
        scratch_types=[
            pltpu.VMEM((BPW,), jnp.int32),
            pltpu.VMEM((BPW, D), jnp.float32),
            pltpu.VMEM((BPW, D), jnp.float32),
            pltpu.VMEM((16,), jnp.float32),
        ] + [pltpu.SemaphoreType.DMA] * 2,
    )(_sc_intra_body)
    return kern(logits, labels, centers)


def _tc_inter_body(c_ref, o_ref):
    c = c_ref[...]
    gram = lax.dot_general(c, c, (((1,), (1,)), ((), ())),
                           preferred_element_type=jnp.float32)
    n_row = jnp.sum(c * c, axis=1, keepdims=True)
    ones = jnp.ones((1, D), jnp.float32)
    n_col = lax.dot_general(ones, c * c, (((1,), (1,)), ((), ())),
                            preferred_element_type=jnp.float32)
    d2 = jnp.maximum(n_row + n_col - 2.0 * gram, 0.0)
    dist = jnp.sqrt(d2)

    row = lax.broadcasted_iota(jnp.int32, (K, K), 0)
    col = lax.broadcasted_iota(jnp.int32, (K, K), 1)
    terms = jnp.where(row != col, 1.0 / (dist + EPS), 0.0)
    diag = K / (DIAG_OFFSET + EPS)
    o_ref[...] = jnp.sum(terms, keepdims=True) + diag


@jax.jit
def _tc_inter(centers):
    return pl.pallas_call(
        _tc_inter_body,
        out_shape=jax.ShapeDtypeStruct((1, 1), jnp.float32),
    )(centers)


def kernel(logits, labels, centers):
    labels = labels.astype(jnp.int32)
    partials = _sc_intra(logits, labels, centers)
    inter = _tc_inter(centers)
    return partials.sum() / logits.shape[0] + INTER_CLASS_WEIGHT * inter[0, 0]

# --- scband reference (transcript-rebuilt; emitter-appended) ---
"""Pipeline reference for scband-center-loss-23622320128156 (READ-ONLY COPY).

The authoritative reference and input builder live on the scoring server;
editing this copy changes nothing except your own understanding.
"""

import jax, jax.numpy as jnp
import numpy as np

NUM_CLASSES = 1000
OUT_DIM = 128
INTER_CLASS_WEIGHT = 0.001
BATCH = 4096


def setup_inputs(seed: int = 0) -> dict:
    key = jax.random.key(seed)
    k1, k2, k3 = jax.random.split(key, 3)
    logits = jax.random.normal(k1, (BATCH, OUT_DIM), dtype=jnp.float32)
    labels = jax.random.randint(k2, (BATCH,), 0, NUM_CLASSES + 1, dtype=jnp.int64)
    centers = jax.random.normal(k3, (NUM_CLASSES + 1, OUT_DIM), dtype=jnp.float32)
    return {"logits": logits, "labels": labels, "centers": centers}


def reference(logits, labels, centers):
    # intra-class loss: gather center for each label (SparseCore gather)
    expanded_centers = jnp.take(centers, labels, axis=0)
    intra_loss = jnp.sum((logits - expanded_centers) ** 2) / logits.shape[0]
    # inter-class loss: pairwise center distances
    center_diff = centers[None, :, :] - centers[:, None, :]
    dist_matrix = jnp.sqrt(jnp.sum(center_diff ** 2, axis=2))
    eye = jnp.eye(NUM_CLASSES + 1, dtype=dist_matrix.dtype)
    inter_loss = jnp.sum(1.0 / (dist_matrix + 1e-05 + eye * 100000.0))
    return intra_loss + INTER_CLASS_WEIGHT * inter_loss

if __name__ == "__main__":
    import jax
    _d = setup_inputs()
    print(jax.jit(kernel)(*tuple(_d.values())))

</pallas_src>

<mosaic_0001>
#map = affine_map<(d0, d1) -> (0, 0)>
#map1 = affine_map<(d0, d1) -> (0)>
module attributes {stable_mosaic.version = 14 : i64} {
  func.func @_sc_intra_body(%arg0: i32, %arg1: i32, %arg2: memref<4096x128xf32, #tpu.memory_space<hbm>>, %arg3: memref<4096xi32, #tpu.memory_space<hbm>>, %arg4: memref<1001x128xf32, #tpu.memory_space<hbm>>, %arg5: memref<32x16xf32, #tpu.memory_space<hbm>>, %arg6: memref<128xi32, #tpu.memory_space<vmem>>, %arg7: memref<128x128xf32, #tpu.memory_space<vmem>>, %arg8: memref<128x128xf32, #tpu.memory_space<vmem>>, %arg9: memref<16xf32, #tpu.memory_space<vmem>>, %arg10: memref<!tpu.dma_semaphore, #tpu.memory_space<semaphore_mem>>, %arg11: memref<!tpu.dma_semaphore, #tpu.memory_space<semaphore_mem>>) attributes {dimension_semantics = [#tpu.dimension_semantics<core_parallel>, #tpu.dimension_semantics<subcore_parallel>], iteration_bounds = array<i64: 2, 16>, scalar_prefetch = 0 : i64, scratch_operands = 6 : i64, tpu.core_type = #tpu.core_type<sc_vector_subcore>, window_params = [{transform_indices = #map}, {transform_indices = #map1}, {transform_indices = #map}, {transform_indices = #map}]} {
    %mul3A = arith.constant 2 : i32
    %mul3A_0 = arith.muli %arg1, %mul3A : i32
    %add3A = arith.addi %mul3A_0, %arg0 : i32
    %mul3A_1 = arith.constant 128 : i32
    %mul3A_2 = arith.muli %add3A, %mul3A_1 : i32
    %dma_start3A = arith.constant 0 : i32
    %dma_start3A_3 = tpu.memref_slice %arg2[%mul3A_2, %dma_start3A] : memref<4096x128xf32, #tpu.memory_space<hbm>> -> memref<128x128xf32, #tpu.memory_space<hbm>>
    %dma_start3A_4 = arith.constant 0 : i32
    %dma_start3A_5 = tpu.memref_slice %arg2[%mul3A_2, %dma_start3A_4] : memref<4096x128xf32, #tpu.memory_space<hbm>> -> memref<128x128xf32, #tpu.memory_space<hbm>>
    tpu.enqueue_dma source(%dma_start3A_5 : memref<128x128xf32, #tpu.memory_space<hbm>>) target(%arg8 : memref<128x128xf32, #tpu.memory_space<vmem>>) target_semaphore(%arg10 : memref<!tpu.dma_semaphore, #tpu.memory_space<semaphore_mem>>)
    "tpu.region"() ({
      %run_scoped3A = tpu.sem_alloc : memref<!tpu.dma_semaphore, #tpu.memory_space<semaphore_mem>>
      %dma_start3A_25 = tpu.memref_slice %arg3[%mul3A_2] : memref<4096xi32, #tpu.memory_space<hbm>> -> memref<128xi32, #tpu.memory_space<hbm>>
      %dma_start3A_26 = tpu.memref_slice %arg3[%mul3A_2] : memref<4096xi32, #tpu.memory_space<hbm>> -> memref<128xi32, #tpu.memory_space<hbm>>
      tpu.enqueue_dma source(%dma_start3A_26 : memref<128xi32, #tpu.memory_space<hbm>>) target(%arg6 : memref<128xi32, #tpu.memory_space<vmem>>) target_semaphore(%run_scoped3A : memref<!tpu.dma_semaphore, #tpu.memory_space<semaphore_mem>>)
      %dma_wait3A_27 = tpu.memref_slice %arg3[%mul3A_2] : memref<4096xi32, #tpu.memory_space<hbm>> -> memref<128xi32, #tpu.memory_space<hbm>>
      %dma_wait3A_28 = tpu.memref_slice %arg3[%mul3A_2] : memref<4096xi32, #tpu.memory_space<hbm>> -> memref<128xi32, #tpu.memory_space<hbm>>
      tpu.wait_dma2 semaphore(%run_scoped3A : memref<!tpu.dma_semaphore, #tpu.memory_space<semaphore_mem>>) src(%dma_wait3A_28 : memref<128xi32, #tpu.memory_space<hbm>>) dst(%arg6 : memref<128xi32, #tpu.memory_space<vmem>>)
      tpu.yield
    }) : () -> ()
    %dma_start3A_6 = arith.constant 0 : i32
    %dma_start3A_7 = arith.constant 0 : i32
    %dma_start3A_8 = tpu.memref_slice %arg4[%dma_start3A_6, %dma_start3A_7] : memref<1001x128xf32, #tpu.memory_space<hbm>> -> memref<1001x128xf32, #tpu.memory_space<hbm>>
    tpu.enqueue_indirect_dma source(%dma_start3A_8 : memref<1001x128xf32, #tpu.memory_space<hbm>>) target(%arg7 : memref<128x128xf32, #tpu.memory_space<vmem>>) offsets(%arg6 : memref<128xi32, #tpu.memory_space<vmem>>) semaphore(%arg11 : memref<!tpu.dma_semaphore, #tpu.memory_space<semaphore_mem>>)
    %dma_wait3A = arith.constant 0 : i32
    %dma_wait3A_9 = tpu.memref_slice %arg2[%mul3A_2, %dma_wait3A] : memref<4096x128xf32, #tpu.memory_space<hbm>> -> memref<128x128xf32, #tpu.memory_space<hbm>>
    %dma_wait3A_10 = arith.constant 0 : i32
    %dma_wait3A_11 = tpu.memref_slice %arg2[%mul3A_2, %dma_wait3A_10] : memref<4096x128xf32, #tpu.memory_space<hbm>> -> memref<128x128xf32, #tpu.memory_space<hbm>>
    tpu.wait_dma2 semaphore(%arg10 : memref<!tpu.dma_semaphore, #tpu.memory_space<semaphore_mem>>) src(%dma_wait3A_11 : memref<128x128xf32, #tpu.memory_space<hbm>>) dst(%arg8 : memref<128x128xf32, #tpu.memory_space<vmem>>)
    %dma_wait3A_12 = arith.constant 0 : i32
    %dma_wait3A_13 = arith.constant 0 : i32
    %dma_wait3A_14 = tpu.memref_slice %arg4[%dma_wait3A_12, %dma_wait3A_13] : memref<1001x128xf32, #tpu.memory_space<hbm>> -> memref<1001x128xf32, #tpu.memory_space<hbm>>
    tpu.wait_indirect_dma semaphore(%arg11 : memref<!tpu.dma_semaphore, #tpu.memory_space<semaphore_mem>>) src(%dma_wait3A_14 : memref<1001x128xf32, #tpu.memory_space<hbm>>) dst(%arg7 : memref<128x128xf32, #tpu.memory_space<vmem>>)
    %broadcast_in_dim3A = arith.constant 0.000000e+00 : f32
    %broadcast_in_dim3A_15 = vector.broadcast %broadcast_in_dim3A : f32 to vector<16xf32>
    %scan3A = arith.constant 0 : i32
    %scan3A_16 = arith.constant 64 : i32
    %scan3A_17 = arith.addi %scan3A, %scan3A_16 : i32
    %scan3A_18 = arith.constant 1 : i32
    %scan3A_19:2 = scf.for %scan3A_25 = %scan3A to %scan3A_17 step %scan3A_18 iter_args(%scan3A_26 = %broadcast_in_dim3A_15, %scan3A_27 = %broadcast_in_dim3A_15) -> (vector<16xf32>, vector<16xf32>)  : i32 {
      %mul3A_28 = arith.constant 2 : i32
      %mul3A_29 = arith.muli %scan3A_25, %mul3A_28 : i32
      %add3A_30 = arith.constant 1 : i32
      %add3A_31 = arith.addi %mul3A_29, %add3A_30 : i32
      %get3A = arith.index_cast %mul3A_29 : i32 to index
      %get3A_32 = arith.constant 0 : index
      %get3A_33 = tpu.vector_load %arg8[%get3A, %get3A_32] {strides = array<i32>} : memref<128x128xf32, #tpu.memory_space<vmem>>, vector<1x16xf32>,
      %get3A_34 = vector.shape_cast %get3A_33 : vector<1x16xf32> to vector<16xf32>
      %get3A_35 = arith.index_cast %mul3A_29 : i32 to index
      %get3A_36 = arith.constant 0 : index
      %get3A_37 = tpu.vector_load %arg7[%get3A_35, %get3A_36] {strides = array<i32>} : memref<128x128xf32, #tpu.memory_space<vmem>>, vector<1x16xf32>,
      %get3A_38 = vector.shape_cast %get3A_37 : vector<1x16xf32> to vector<16xf32>
      %sub3A = arith.subf %get3A_34, %get3A_38 : vector<16xf32>
      %mul3A_39 = arith.mulf %sub3A, %sub3A : vector<16xf32>
      %add3A_40 = arith.addf %scan3A_26, %mul3A_39 : vector<16xf32>
      %get3A_41 = arith.index_cast %mul3A_29 : i32 to index
      %get3A_42 = arith.constant 16 : index
      %get3A_43 = tpu.vector_load %arg8[%get3A_41, %get3A_42] {strides = array<i32>} : memref<128x128xf32, #tpu.memory_space<vmem>>, vector<1x16xf32>,
      %get3A_44 = vector.shape_cast %get3A_43 : vector<1x16xf32> to vector<16xf32>
      %get3A_45 = arith.index_cast %mul3A_29 : i32 to index
      %get3A_46 = arith.constant 16 : index
      %get3A_47 = tpu.vector_load %arg7[%get3A_45, %get3A_46] {strides = array<i32>} : memref<128x128xf32, #tpu.memory_space<vmem>>, vector<1x16xf32>,
      %get3A_48 = vector.shape_cast %get3A_47 : vector<1x16xf32> to vector<16xf32>
      %sub3A_49 = arith.subf %get3A_44, %get3A_48 : vector<16xf32>
      %mul3A_50 = arith.mulf %sub3A_49, %sub3A_49 : vector<16xf32>
      %add3A_51 = arith.addf %scan3A_27, %mul3A_50 : vector<16xf32>
      %get3A_52 = arith.index_cast %mul3A_29 : i32 to index
      %get3A_53 = arith.constant 32 : index
      %get3A_54 = tpu.vector_load %arg8[%get3A_52, %get3A_53] {strides = array<i32>} : memref<128x128xf32, #tpu.memory_space<vmem>>, vector<1x16xf32>,
      %get3A_55 = vector.shape_cast %get3A_54 : vector<1x16xf32> to vector<16xf32>
      %get3A_56 = arith.index_cast %mul3A_29 : i32 to index
      %get3A_57 = arith.constant 32 : index
      %get3A_58 = tpu.vector_load %arg7[%get3A_56, %get3A_57] {strides = array<i32>} : memref<128x128xf32, #tpu.memory_space<vmem>>, vector<1x16xf32>,
      %get3A_59 = vector.shape_cast %get3A_58 : vector<1x16xf32> to vector<16xf32>
      %sub3A_60 = arith.subf %get3A_55, %get3A_59 : vector<16xf32>
      %mul3A_61 = arith.mulf %sub3A_60, %sub3A_60 : vector<16xf32>
      %add3A_62 = arith.addf %add3A_40, %mul3A_61 : vector<16xf32>
      %get3A_63 = arith.index_cast %mul3A_29 : i32 to index
      %get3A_64 = arith.constant 48 : index
      %get3A_65 = tpu.vector_load %arg8[%get3A_63, %get3A_64] {strides = array<i32>} : memref<128x128xf32, #tpu.memory_space<vmem>>, vector<1x16xf32>,
      %get3A_66 = vector.shape_cast %get3A_65 : vector<1x16xf32> to vector<16xf32>
      %get3A_67 = arith.index_cast %mul3A_29 : i32 to index
      %get3A_68 = arith.constant 48 : index
      %get3A_69 = tpu.vector_load %arg7[%get3A_67, %get3A_68] {strides = array<i32>} : memref<128x128xf32, #tpu.memory_space<vmem>>, vector<1x16xf32>,
      %get3A_70 = vector.shape_cast %get3A_69 : vector<1x16xf32> to vector<16xf32>
      %sub3A_71 = arith.subf %get3A_66, %get3A_70 : vector<16xf32>
      %mul3A_72 = arith.mulf %sub3A_71, %sub3A_71 : vector<16xf32>
      %add3A_73 = arith.addf %add3A_51, %mul3A_72 : vector<16xf32>
      %get3A_74 = arith.index_cast %mul3A_29 : i32 to index
      %get3A_75 = arith.constant 64 : index
      %get3A_76 = tpu.vector_load %arg8[%get3A_74, %get3A_75] {strides = array<i32>} : memref<128x128xf32, #tpu.memory_space<vmem>>, vector<1x16xf32>,
      %get3A_77 = vector.shape_cast %get3A_76 : vector<1x16xf32> to vector<16xf32>
      %get3A_78 = arith.index_cast %mul3A_29 : i32 to index
      %get3A_79 = arith.constant 64 : index
      %get3A_80 = tpu.vector_load %arg7[%get3A_78, %get3A_79] {strides = array<i32>} : memref<128x128xf32, #tpu.memory_space<vmem>>, vector<1x16xf32>,
      %get3A_81 = vector.shape_cast %get3A_80 : vector<1x16xf32> to vector<16xf32>
      %sub3A_82 = arith.subf %get3A_77, %get3A_81 : vector<16xf32>
      %mul3A_83 = arith.mulf %sub3A_82, %sub3A_82 : vector<16xf32>
      %add3A_84 = arith.addf %add3A_62, %mul3A_83 : vector<16xf32>
      %get3A_85 = arith.index_cast %mul3A_29 : i32 to index
      %get3A_86 = arith.constant 80 : index
      %get3A_87 = tpu.vector_load %arg8[%get3A_85, %get3A_86] {strides = array<i32>} : memref<128x128xf32, #tpu.memory_space<vmem>>, vector<1x16xf32>,
      %get3A_88 = vector.shape_cast %get3A_87 : vector<1x16xf32> to vector<16xf32>
      %get3A_89 = arith.index_cast %mul3A_29 : i32 to index
      %get3A_90 = arith.constant 80 : index
      %get3A_91 = tpu.vector_load %arg7[%get3A_89, %get3A_90] {strides = array<i32>} : memref<128x128xf32, #tpu.memory_space<vmem>>, vector<1x16xf32>,
      %get3A_92 = vector.shape_cast %get3A_91 : vector<1x16xf32> to vector<16xf32>
      %sub3A_93 = arith.subf %get3A_88, %get3A_92 : vector<16xf32>
      %mul3A_94 = arith.mulf %sub3A_93, %sub3A_93 : vector<16xf32>
      %add3A_95 = arith.addf %add3A_73, %mul3A_94 : vector<16xf32>
      %get3A_96 = arith.index_cast %mul3A_29 : i32 to index
      %get3A_97 = arith.constant 96 : index
      %get3A_98 = tpu.vector_load %arg8[%get3A_96, %get3A_97] {strides = array<i32>} : memref<128x128xf32, #tpu.memory_space<vmem>>, vector<1x16xf32>,
      %get3A_99 = vector.shape_cast %get3A_98 : vector<1x16xf32> to vector<16xf32>
      %get3A_100 = arith.index_cast %mul3A_29 : i32 to index
      %get3A_101 = arith.constant 96 : index
      %get3A_102 = tpu.vector_load %arg7[%get3A_100, %get3A_101] {strides = array<i32>} : memref<128x128xf32, #tpu.memory_space<vmem>>, vector<1x16xf32>,
      %get3A_103 = vector.shape_cast %get3A_102 : vector<1x16xf32> to vector<16xf32>
      %sub3A_104 = arith.subf %get3A_99, %get3A_103 : vector<16xf32>
      %mul3A_105 = arith.mulf %sub3A_104, %sub3A_104 : vector<16xf32>
      %add3A_106 = arith.addf %add3A_84, %mul3A_105 : vector<16xf32>
      %get3A_107 = arith.index_cast %mul3A_29 : i32 to index
      %get3A_108 = arith.constant 112 : index
      %get3A_109 = tpu.vector_load %arg8[%get3A_107, %get3A_108] {strides = array<i32>} : memref<128x128xf32, #tpu.memory_space<vmem>>, vector<1x16xf32>,
      %get3A_110 = vector.shape_cast %get3A_109 : vector<1x16xf32> to vector<16xf32>
      %get3A_111 = arith.index_cast %mul3A_29 : i32 to index
      %get3A_112 = arith.constant 112 : index
      %get3A_113 = tpu.vector_load %arg7[%get3A_111, %get3A_112] {strides = array<i32>} : memref<128x128xf32, #tpu.memory_space<vmem>>, vector<1x16xf32>,
      %get3A_114 = vector.shape_cast %get3A_113 : vector<1x16xf32> to vector<16xf32>
      %sub3A_115 = arith.subf %get3A_110, %get3A_114 : vector<16xf32>
      %mul3A_116 = arith.mulf %sub3A_115, %sub3A_115 : vector<16xf32>
      %add3A_117 = arith.addf %add3A_95, %mul3A_116 : vector<16xf32>
      %get3A_118 = arith.index_cast %add3A_31 : i32 to index
      %get3A_119 = arith.constant 0 : index
      %get3A_120 = tpu.vector_load %arg8[%get3A_118, %get3A_119] {strides = array<i32>} : memref<128x128xf32, #tpu.memory_space<vmem>>, vector<1x16xf32>,
      %get3A_121 = vector.shape_cast %get3A_120 : vector<1x16xf32> to vector<16xf32>
      %get3A_122 = arith.index_cast %add3A_31 : i32 to index
      %get3A_123 = arith.constant 0 : index
      %get3A_124 = tpu.vector_load %arg7[%get3A_122, %get3A_123] {strides = array<i32>} : memref<128x128xf32, #tpu.memory_space<vmem>>, vector<1x16xf32>,
      %get3A_125 = vector.shape_cast %get3A_124 : vector<1x16xf32> to vector<16xf32>
      %sub3A_126 = arith.subf %get3A_121, %get3A_125 : vector<16xf32>
      %mul3A_127 = arith.mulf %sub3A_126, %sub3A_126 : vector<16xf32>
      %add3A_128 = arith.addf %add3A_106, %mul3A_127 : vector<16xf32>
      %get3A_129 = arith.index_cast %add3A_31 : i32 to index
      %get3A_130 = arith.constant 16 : index
      %get3A_131 = tpu.vector_load %arg8[%get3A_129, %get3A_130] {strides = array<i32>} : memref<128x128xf32, #tpu.memory_space<vmem>>, vector<1x16xf32>,
      %get3A_132 = vector.shape_cast %get3A_131 : vector<1x16xf32> to vector<16xf32>
      %get3A_133 = arith.index_cast %add3A_31 : i32 to index
      %get3A_134 = arith.constant 16 : index
      %get3A_135 = tpu.vector_load %arg7[%get3A_133, %get3A_134] {strides = array<i32>} : memref<128x128xf32, #tpu.memory_space<vmem>>, vector<1x16xf32>,
      %get3A_136 = vector.shape_cast %get3A_135 : vector<1x16xf32> to vector<16xf32>
      %sub3A_137 = arith.subf %get3A_132, %get3A_136 : vector<16xf32>
      %mul3A_138 = arith.mulf %sub3A_137, %sub3A_137 : vector<16xf32>
      %add3A_139 = arith.addf %add3A_117, %mul3A_138 : vector<16xf32>
      %get3A_140 = arith.index_cast %add3A_31 : i32 to index
      %get3A_141 = arith.constant 32 : index
      %get3A_142 = tpu.vector_load %arg8[%get3A_140, %get3A_141] {strides = array<i32>} : memref<128x128xf32, #tpu.memory_space<vmem>>, vector<1x16xf32>,
      %get3A_143 = vector.shape_cast %get3A_142 : vector<1x16xf32> to vector<16xf32>
      %get3A_144 = arith.index_cast %add3A_31 : i32 to index
      %get3A_145 = arith.constant 32 : index
      %get3A_146 = tpu.vector_load %arg7[%get3A_144, %get3A_145] {strides = array<i32>} : memref<128x128xf32, #tpu.memory_space<vmem>>, vector<1x16xf32>,
      %get3A_147 = vector.shape_cast %get3A_146 : vector<1x16xf32> to vector<16xf32>
      %sub3A_148 = arith.subf %get3A_143, %get3A_147 : vector<16xf32>
      %mul3A_149 = arith.mulf %sub3A_148, %sub3A_148 : vector<16xf32>
      %add3A_150 = arith.addf %add3A_128, %mul3A_149 : vector<16xf32>
      %get3A_151 = arith.index_cast %add3A_31 : i32 to index
      %get3A_152 = arith.constant 48 : index
      %get3A_153 = tpu.vector_load %arg8[%get3A_151, %get3A_152] {strides = array<i32>} : memref<128x128xf32, #tpu.memory_space<vmem>>, vector<1x16xf32>,
      %get3A_154 = vector.shape_cast %get3A_153 : vector<1x16xf32> to vector<16xf32>
      %get3A_155 = arith.index_cast %add3A_31 : i32 to index
      %get3A_156 = arith.constant 48 : index
      %get3A_157 = tpu.vector_load %arg7[%get3A_155, %get3A_156] {strides = array<i32>} : memref<128x128xf32, #tpu.memory_space<vmem>>, vector<1x16xf32>,
      %get3A_158 = vector.shape_cast %get3A_157 : vector<1x16xf32> to vector<16xf32>
      %sub3A_159 = arith.subf %get3A_154, %get3A_158 : vector<16xf32>
      %mul3A_160 = arith.mulf %sub3A_159, %sub3A_159 : vector<16xf32>
      %add3A_161 = arith.addf %add3A_139, %mul3A_160 : vector<16xf32>
      %get3A_162 = arith.index_cast %add3A_31 : i32 to index
      %get3A_163 = arith.constant 64 : index
      %get3A_164 = tpu.vector_load %arg8[%get3A_162, %get3A_163] {strides = array<i32>} : memref<128x128xf32, #tpu.memory_space<vmem>>, vector<1x16xf32>,
      %get3A_165 = vector.shape_cast %get3A_164 : vector<1x16xf32> to vector<16xf32>
      %get3A_166 = arith.index_cast %add3A_31 : i32 to index
      %get3A_167 = arith.constant 64 : index
      %get3A_168 = tpu.vector_load %arg7[%get3A_166, %get3A_167] {strides = array<i32>} : memref<128x128xf32, #tpu.memory_space<vmem>>, vector<1x16xf32>,
      %get3A_169 = vector.shape_cast %get3A_168 : vector<1x16xf32> to vector<16xf32>
      %sub3A_170 = arith.subf %get3A_165, %get3A_169 : vector<16xf32>
      %mul3A_171 = arith.mulf %sub3A_170, %sub3A_170 : vector<16xf32>
      %add3A_172 = arith.addf %add3A_150, %mul3A_171 : vector<16xf32>
      %get3A_173 = arith.index_cast %add3A_31 : i32 to index
      %get3A_174 = arith.constant 80 : index
      %get3A_175 = tpu.vector_load %arg8[%get3A_173, %get3A_174] {strides = array<i32>} : memref<128x128xf32, #tpu.memory_space<vmem>>, vector<1x16xf32>,
      %get3A_176 = vector.shape_cast %get3A_175 : vector<1x16xf32> to vector<16xf32>
      %get3A_177 = arith.index_cast %add3A_31 : i32 to index
      %get3A_178 = arith.constant 80 : index
      %get3A_179 = tpu.vector_load %arg7[%get3A_177, %get3A_178] {strides = array<i32>} : memref<128x128xf32, #tpu.memory_space<vmem>>, vector<1x16xf32>,
      %get3A_180 = vector.shape_cast %get3A_179 : vector<1x16xf32> to vector<16xf32>
      %sub3A_181 = arith.subf %get3A_176, %get3A_180 : vector<16xf32>
      %mul3A_182 = arith.mulf %sub3A_181, %sub3A_181 : vector<16xf32>
      %add3A_183 = arith.addf %add3A_161, %mul3A_182 : vector<16xf32>
      %get3A_184 = arith.index_cast %add3A_31 : i32 to index
      %get3A_185 = arith.constant 96 : index
      %get3A_186 = tpu.vector_load %arg8[%get3A_184, %get3A_185] {strides = array<i32>} : memref<128x128xf32, #tpu.memory_space<vmem>>, vector<1x16xf32>,
      %get3A_187 = vector.shape_cast %get3A_186 : vector<1x16xf32> to vector<16xf32>
      %get3A_188 = arith.index_cast %add3A_31 : i32 to index
      %get3A_189 = arith.constant 96 : index
      %get3A_190 = tpu.vector_load %arg7[%get3A_188, %get3A_189] {strides = array<i32>} : memref<128x128xf32, #tpu.memory_space<vmem>>, vector<1x16xf32>,
      %get3A_191 = vector.shape_cast %get3A_190 : vector<1x16xf32> to vector<16xf32>
      %sub3A_192 = arith.subf %get3A_187, %get3A_191 : vector<16xf32>
      %mul3A_193 = arith.mulf %sub3A_192, %sub3A_192 : vector<16xf32>
      %add3A_194 = arith.addf %add3A_172, %mul3A_193 : vector<16xf32>
      %get3A_195 = arith.index_cast %add3A_31 : i32 to index
      %get3A_196 = arith.constant 112 : index
      %get3A_197 = tpu.vector_load %arg8[%get3A_195, %get3A_196] {strides = array<i32>} : memref<128x128xf32, #tpu.memory_space<vmem>>, vector<1x16xf32>,
      %get3A_198 = vector.shape_cast %get3A_197 : vector<1x16xf32> to vector<16xf32>
      %get3A_199 = arith.index_cast %add3A_31 : i32 to index
      %get3A_200 = arith.constant 112 : index
      %get3A_201 = tpu.vector_load %arg7[%get3A_199, %get3A_200] {strides = array<i32>} : memref<128x128xf32, #tpu.memory_space<vmem>>, vector<1x16xf32>,
      %get3A_202 = vector.shape_cast %get3A_201 : vector<1x16xf32> to vector<16xf32>
      %sub3A_203 = arith.subf %get3A_198, %get3A_202 : vector<16xf32>
      %mul3A_204 = arith.mulf %sub3A_203, %sub3A_203 : vector<16xf32>
      %add3A_205 = arith.addf %add3A_183, %mul3A_204 : vector<16xf32>
      scf.yield %add3A_194, %add3A_205 : vector<16xf32>, vector<16xf32>
    }
    %scan3A_20 = arith.constant 64 : i32
    %add3A_21 = arith.addf %scan3A_19#0, %scan3A_19#1 : vector<16xf32>
    %swap3A = arith.constant 0 : index
    %swap3A_22 = tpu.vector_load %arg9[%swap3A] {strides = array<i32>} : memref<16xf32, #tpu.memory_space<vmem>>, vector<16xf32>,
    %swap3A_23 = vector.shape_cast %swap3A_22 : vector<16xf32> to vector<16xf32>
    %swap3A_24 = vector.shape_cast %add3A_21 : vector<16xf32> to vector<16xf32>
    tpu.vector_store %arg9[%swap3A], %swap3A_24 {strides = array<i32>} : memref<16xf32, #tpu.memory_space<vmem>>, vector<16xf32>,
    "tpu.region"() ({
      %run_scoped3A = tpu.sem_alloc : memref<!tpu.dma_semaphore, #tpu.memory_space<semaphore_mem>>
      %dma_start3A_25 = arith.constant 0 : i32
      %dma_start3A_26 = tpu.memref_slice %arg5[%add3A, %dma_start3A_25] : memref<32x16xf32, #tpu.memory_space<hbm>> -> memref<1x16xf32, #tpu.memory_space<hbm>>
      %dma_start3A_27 = tpu.memref_squeeze %dma_start3A_26 : memref<1x16xf32, #tpu.memory_space<hbm>> -> memref<16xf32, #tpu.memory_space<hbm>>
      %dma_start3A_28 = arith.constant 0 : i32
      %dma_start3A_29 = tpu.memref_slice %arg5[%add3A, %dma_start3A_28] : memref<32x16xf32, #tpu.memory_space<hbm>> -> memref<1x16xf32, #tpu.memory_space<hbm>>
      %dma_start3A_30 = tpu.memref_squeeze %dma_start3A_29 : memref<1x16xf32, #tpu.memory_space<hbm>> -> memref<16xf32, #tpu.memory_space<hbm>>
      tpu.enqueue_dma source(%arg9 : memref<16xf32, #tpu.memory_space<vmem>>) target(%dma_start3A_30 : memref<16xf32, #tpu.memory_space<hbm>>) target_semaphore(%run_scoped3A : memref<!tpu.dma_semaphore, #tpu.memory_space<semaphore_mem>>)
      %dma_wait3A_31 = arith.constant 0 : i32
      %dma_wait3A_32 = tpu.memref_slice %arg5[%add3A, %dma_wait3A_31] : memref<32x16xf32, #tpu.memory_space<hbm>> -> memref<1x16xf32, #tpu.memory_space<hbm>>
      %dma_wait3A_33 = tpu.memref_squeeze %dma_wait3A_32 : memref<1x16xf32, #tpu.memory_space<hbm>> -> memref<16xf32, #tpu.memory_space<hbm>>
      %dma_wait3A_34 = arith.constant 0 : i32
      %dma_wait3A_35 = tpu.memref_slice %arg5[%add3A, %dma_wait3A_34] : memref<32x16xf32, #tpu.memory_space<hbm>> -> memref<1x16xf32, #tpu.memory_space<hbm>>
      %dma_wait3A_36 = tpu.memref_squeeze %dma_wait3A_35 : memref<1x16xf32, #tpu.memory_space<hbm>> -> memref<16xf32, #tpu.memory_space<hbm>>
      tpu.wait_dma2 semaphore(%run_scoped3A : memref<!tpu.dma_semaphore, #tpu.memory_space<semaphore_mem>>) src(%arg9 : memref<16xf32, #tpu.memory_space<vmem>>) dst(%dma_wait3A_36 : memref<16xf32, #tpu.memory_space<hbm>>)
      tpu.yield
    }) : () -> ()
    return
  }
}

</mosaic_0001>

<sc_bundles>
// kernel: _sc_intra.3.cloned.1.call-start
scs
__scs_entry_jumppad:
0x0: {  	(pc) =	sbr.rel $0x88, $3  }
0x1: {  	(tag) =	ssettag $0x0;
	lr =	simm.s32 $0x1  }
0x2: {  	[smem:$0x3F9E] =	sst lr;
	_ =	strace $0xD0000000  }
0x3: {  	_ = 	snop  }
0x4: {  	_ = 	snop  }
0x5: {  	_ = 	snop  }
0x6: {  	_ = 	snop  }
0x7: {  	_ = 	snop  }
__scs_overlays_trampoline_lowered:
0x8: {  	[smem:$0x3FAD] =	sst s0  }
0x9: {  	[smem:$0x3FAE] =	sst s1  }
0xa: {  	[smem:$0x3FAF] =	sst s2  }
0xb: {  	[smem:$0x3FB0] =	sst s3  }
0xc: {  	[smem:$0x3FB1] =	sst s4  }
0xd: {  	[smem:$0x3FB2] =	sst s5  }
0xe: {  	[smem:$0x3FB3] =	sst s6  }
0xf: {  	[smem:$0x3FB4] =	sst s7  }
0x10: {  	[smem:$0x3FB5] =	sst s8  }
0x11: {  	[smem:$0x3FB6] =	sst s9;
	s0 =	simm.s32 @!p0 $0x0  }
0x12: {  	s1 =	sld [smem:$0x3F9C];
	s0 =	simm.s32 @p0 $0x1  }
0x13: {  	[smem:$0x3FB7] =	sst s0;
	s0 =	simm.s32 @!p1 $0x0  }
0x14: {  	s2 =	sld [smem:$0x3F9B];
	s0 =	simm.s32 @p1 $0x1  }
0x15: {  	[smem:$0x3FB8] =	sst s0;
	s0 =	simm.s32 @!p2 $0x0  }
0x16: {  	s3 =	sld [smem:$0x3FDB];
	s0 =	simm.s32 @p2 $0x1  }
0x17: {  	s4 =	simm.s32 $0x1BF5;
	[smem:$0x3FBA] =	sst s0  }
0x18: {  	s0 =	sld [smem:$0x3F9D];
	_ =	swait.ge [sflag:s4], $0x0  }
0x19: {  	s7 =	sld [smem:$0x3F9E]  }
0x1a: {  	s8 =	sadd.s32 $0xFFFFE003, lr  }
0x1b: {  	s9 =	sadd.s32 $0xFFFFFEF7, lr;
	s5 =	simm.s32 $0xFFFFFFFF;
	p2 =	slt.u32 s8, $0xFFFFF086  }
0x1c: {  	p1 =	slt.u32 s9, $0xF7A;
	s5 =	simm.s32 @!p2 $0x0  }
0x1d: {  	s5 =	simm.s32 @p1 $0x1;
	p0 =	seq.s32 s7, s2  }
0x1e: {  	s7 =	smul.u32 @!p0 $0xF7A, s2;
	p2 =	seq.s32 @!p0 s5, $0x0  }
0x1f: {  	s9 =	smul.u32 $0xF7A, s1;
	s8 =	simm.s32 @!p0 $0x1BF5;
	p2 =	por !p2, p0  }
0x20: {  	[sflag:s8] =	ssyncset.s32 @!p0 $0xFFFFF086;
	s6 =	sadd.s32 @!p0 s3, s7;
	s7 =	simm.s32 @!p0 $0x108  }
0x21: {  	s3 =	sadd.s32 s3, s9;
	s6 =	sadd.s32 @!p0 $0x88, s6;
	s7 =	simm.s32 @p2 $0x1082  }
0x22: {  	[simem:s7], [sflag:s8] =	dma.local @!p0 [hbm:s6], $0xF7A  }
0x23: {  	s9 =	sor.u32 $0xD0000000, s2;
	s6 =	simm.s32 $0x108;
	_ =	swait.ge @!p0 [sflag:s8], $0x0  }
0x24: {  	s3 =	sadd.s32 $0x88, s3;
	s6 =	simm.s32 @!p1 $0x1082;
	[sflag:s4] =	ssyncset.s32 $0xFFFFF086  }
0x25: {  	[simem:s6], [sflag:s4] =	dma.local [hbm:s3], $0xF7A  }
0x26: {  	[smem:$0x3F9E] =	sst s1;
	(tag) =	ssettag s2;
	_ =	strace s9  }
0x27: {  	s1 =	sld [smem:$0x3FAE]  }
0x28: {  	s2 =	sld [smem:$0x3FAF]  }
0x29: {  	s4 =	sld [smem:$0x3FB1]  }
0x2a: {  	p0 =	seq.s32 s5, $0x0;
	s5 =	sld [smem:$0x3FB2]  }
0x2b: {  	s6 =	sld [smem:$0x3FB3]  }
0x2c: {  	s7 =	sld [smem:$0x3FB4]  }
0x2d: {  	s3 =	simm.s32 $0x108;
	s8 =	sld [smem:$0x3FB5]  }
0x2e: {  	s3 =	simm.s32 @!p0 $0x1082;
	s9 =	sld [smem:$0x3FB6]  }
0x2f: {  	lr =	sadd.s32 s0, s3;
	s0 =	sld [smem:$0x3FAD]  }
0x30: {  	s3 =	sld [smem:$0x3FB0]  }
0x31: {  	[smem:$0x3FB9] =	sst s10  }
0x32: {  	s10 =	sld [smem:$0x3FB7];
	_ =	sdelay $0x3  }
0x33: {  	p0 =	seq.s32 s10, $0x1;
	s10 =	sld [smem:$0x3FB9];
	_ =	sdelay $0x3  }
0x34: {  	[smem:$0x3FB9] =	sst s10  }
0x35: {  	s10 =	sld [smem:$0x3FB8];
	_ =	sdelay $0x3  }
0x36: {  	p1 =	seq.s32 s10, $0x1;
	s10 =	sld [smem:$0x3FB9];
	_ =	sdelay $0x3  }
0x37: {  	[smem:$0x3FB9] =	sst s10  }
0x38: {  	s10 =	sld [smem:$0x3FBA]  }
0x39: {  	_ = 	snop;
	(pc) =	sbr.ind lr, $3  }
0x3a: {  	_ = 	snop  }
0x3b: {  	_ = 	snop  }
0x3c: {  	p2 =	seq.s32 s10, $0x1;
	s10 =	sld [smem:$0x3FB9]  }
0x3d: {  	_ =	shalt  }
0x3e: {  	_ =	shalt  }
0x3f: {  	_ =	shalt  }
0x40: {  	_ =	shalt  }
0x41: {  	_ =	shalt  }
0x42: {  	_ =	shalt  }
0x43: {  	_ =	shalt  }
0x44: {  	_ =	shalt  }
0x45: {  	_ =	shalt  }
0x46: {  	_ =	shalt  }
0x47: {  	_ =	shalt  }
0x48: {  	_ =	shalt  }
0x49: {  	_ =	shalt  }
0x4a: {  	_ =	shalt  }
0x4b: {  	_ =	shalt  }
0x4c: {  	_ =	shalt  }
0x4d: {  	_ =	shalt  }
0x4e: {  	_ =	shalt  }
0x4f: {  	_ =	shalt  }
0x50: {  	_ =	shalt  }
0x51: {  	_ =	shalt  }
0x52: {  	_ =	shalt  }
0x53: {  	_ =	shalt  }
0x54: {  	_ =	shalt  }
0x55: {  	_ =	shalt  }
0x56: {  	_ =	shalt  }
0x57: {  	_ =	shalt  }
0x58: {  	_ =	shalt  }
0x59: {  	_ =	shalt  }
0x5a: {  	_ =	shalt  }
0x5b: {  	_ =	shalt  }
0x5c: {  	_ =	shalt  }
0x5d: {  	_ =	shalt  }
0x5e: {  	_ =	shalt  }
0x5f: {  	_ =	shalt  }
0x60: {  	_ =	shalt  }
0x61: {  	_ =	shalt  }
0x62: {  	_ =	shalt  }
0x63: {  	_ =	shalt  }
0x64: {  	_ =	shalt  }
0x65: {  	_ =	shalt  }
0x66: {  	_ =	shalt  }
0x67: {  	_ =	shalt  }
0x68: {  	_ =	shalt  }
0x69: {  	_ =	shalt  }
0x6a: {  	_ =	shalt  }
0x6b: {  	_ =	shalt  }
0x6c: {  	_ =	shalt  }
0x6d: {  	_ =	shalt  }
0x6e: {  	_ =	shalt  }
0x6f: {  	_ =	shalt  }
0x70: {  	_ =	shalt  }
0x71: {  	_ =	shalt  }
0x72: {  	_ =	shalt  }
0x73: {  	_ =	shalt  }
0x74: {  	_ =	shalt  }
0x75: {  	_ =	shalt  }
0x76: {  	_ =	shalt  }
0x77: {  	_ =	shalt  }
0x78: {  	_ =	shalt  }
0x79: {  	_ =	shalt  }
0x7a: {  	_ =	shalt  }
0x7b: {  	_ =	shalt  }
0x7c: {  	_ =	shalt  }
0x7d: {  	_ =	shalt  }
0x7e: {  	_ =	shalt  }
0x7f: {  	_ =	shalt  }
0x80: {  	_ =	shalt  }
0x81: {  	_ =	shalt  }
0x82: {  	_ =	shalt  }
0x83: {  	_ =	shalt  }
0x84: {  	_ =	shalt  }
0x85: {  	_ =	shalt  }
0x86: {  	_ =	shalt  }
0x87: {  	_ =	shalt  }
.Lfunc_end0:
.L_simem_size_0:
called_computation_lowered:
.L_overlay_start_0:
0x88: {  	s2 =	sld [smem:$0x3FD9]  }
0x89: {  	s3 =	sld [smem:$0x3FFE];
	_ =	sdelay $0x1  }
0x8a: {  	s1 =	srdreg.scid  }
0x8b: {  	s0 =	sand.u32 $0x1, s1  }
0x8c: {  	s17 =	sshll.u32 s0, $0xA;
	s2 =	sadd.s32 s3, s2  }
0x8d: {  	s2 =	sadd.s32 s2, s17  }
0x8e: {  	[smem:$0x3FC5] =	sst s2  }
0x8f: {  	_ = 	snop  }
0x90: {  	s2 =	sld [smem:$0x3FC9]  }
0x91: {  	s18 =	sld [smem:$0x3FC8]  }
0x92: {  	s4 =	sld [smem:$0x3FC7];
	(tm) =	ssettm $0x1  }
0x93: {  	s5 =	sld [smem:$0x3FFB];
	_ =	sdelay $0x3  }
0x94: {  	_ =	strace s5  }
0x95: {  	s5 =	sld [smem:$0x3FFC];
	_ =	sdelay $0x3  }
0x96: {  	_ =	strace s5  }
0x97: {  	s5 =	sld [smem:$0x3FFD];
	_ =	sdelay $0x3  }
0x98: {  	_ =	strace s5  }
0x99: {  	_ =	strace $0x8FFFFFFF  }
0x9a: {  	s19 =	sld [smem:$0x3FDB];
	_ =	sdelay $0x1  }
0x9b: {  	s6 =	simm.s32 $_scs_section_size  }
0x9c: {  	s7 =	simm.s32 $_size__tile_overlayer_lowered;
	s8 =	simm.s32 $_tile_overlayer_lowered  }
0x9d: {  	s22 =	simm.s32 $0x1BFF;
	s21 =	sshll.u32 s8, $0x1;
	s5 =	sadd.s32 s6, s19  }
0x9e: {  	s9 =	simm.s32 $0x0;
	s20 =	sshll.u32 s7, $0x1;
	s7 =	sadd.s32 s21, s5  }
0x9f: {  	[timem:s9], [sflag:s22] =	dma.local [hbm:s7], s20  }
0xa0: {  	_ =	swait.ge [sflag:s22], s20  }
0xa1: {  	s6 =	ssub.s32 $0x0, s20;
	[sflag:s22] =	ssyncset.done $0x0  }
0xa2: {  	[sflag:s22] =	ssyncadd.s32 s6;
	_ =	sdelay $0x1  }
0xa3: {  	s23 =	simm.s32 $0x1B8B  }
0xa4: {  	_ =	swait.ge [sflag:s23], $0x1  }
0xa5: {  	[sflag:s23] =	ssyncset.done $0x0  }
0xa6: {  	s25 =	simm.s32 $0x1B8E;
	s24 =	sld [smem:$0x3FFE];
	[sflag:s23] =	ssyncadd.s32 $0xFFFFFFFF  }
0xa7: {  	s26 =	simm.s32 $execute0_lowered;
	[smem:$0x3FD2] =	sst s25  }
0xa8: {  	s7 =	sshll.u32 s26, $0x1;
	_ =	strace $0x80000046;
	[dreg:$0x1] =	wrdreg $0xFFFFFFFF  }
0xa9: {  	s28 =	simm.s32 $_size_execute0_lowered;
	s5 =	sadd.s32 s5, s7;
	[dreg:$0x0] =	wrdreg $0x0  }
0xaa: {  	s7 =	sshll.u32 s28, $0x1;
	[dreg:$0x2] =	wrdreg s5  }
0xab: {  	[dreg:$0x3] =	wrdreg s7  }
0xac: {  	[dreg:$0x4] =	wrdreg $0xC0  }
0xad: {  	_ =	task [dreg:s9], $0x5FFFF  }
0xae: {  	[dreg:$0x1] =	wrdreg $0xFFFFFFFF  }
0xaf: {  	[dreg:$0x0] =	wrdreg $0x60  }
0xb0: {  	[dreg:$0x2] =	wrdreg s2  }
0xb1: {  	[dreg:$0x3] =	wrdreg s18  }
0xb2: {  	[dreg:$0x4] =	wrdreg s4  }
0xb3: {  	[dreg:$0x5] =	wrdreg s24  }
0xb4: {  	[dreg:$0x6] =	wrdreg $0x9  }
0xb5: {  	_ =	task.clear_ibuf [dreg:s9], $0x7FFFF;
	_ =	strace $0x90000046  }
0xb6: {  	s29 =	simm.s32 $0x9;
	_ =	strace $0x80000048  }
0xb7: {  	_ =	swait.ge [sflag:s29], $0x1  }
0xb8: {  	[sflag:s29] =	ssyncadd.s32 $0xFFFFFFFF  }
0xb9: {  	_ =	strace $0x90000048  }
0xba: {  	_ =	sfence  }
0xbb: {  	s30 =	sld [smem:$0x0];
	_ =	sdelay $0x2  }
0xbc: {  	s31 =	sshll.u32 s1, $0xD;
	s1 =	sshrl.u32 s1, $0x2  }
0xbd: {  	s3 =	sand.u32 $0x4000, s31;
	s1 =	sadd.s32 s1, s30  }
0xbe: {  	s0 =	sor.u32 s3, s0;
	s1 =	sshll.u32 s1, $0x11  }
0xbf: {  	s0 =	sor.u32 s1, s0  }
0xc0: {  	s0 =	sadd.s32 $0x8F2B, s0  }
0xc1: {  	[sflag:s0] =	ssyncadd.remote.s32 $0x1  }
0xc2: {  	_ =	sfence.sel $0xFFFF  }
0xc3: {  	[dreg:$0x0] =	wrdreg $0xFFFFFFFF;
	(pc) =	sbr.abs _section_cstart, $3  }
0xc4: {  	[dreg:$0x1] =	wrdreg $0xFFFFFFFF  }
0xc5: {  	_ =	task.clear_ibuf [dreg:s9], $0x2FFFF;
	_ =	strace $0x9FFFFFFF  }
0xc6: {  	(tm) =	ssettm $0x7FFFFFFF  }
0xc7: {  	_ =	shalt  }
tec
execute0_lowered:
.L_overlay_start_1:
0x0: {  	(tag) =	ssettag $0x1  }
0x1: {  	s4 =	rddreg [dreg:$0x0]  }
0x2: {  	s5 =	rddreg [dreg:$0x1]  }
0x3: {  	s2 =	rddreg [dreg:$0x2]  }
0x4: {  	s6 =	rddreg [dreg:$0x3]  }
0x5: {  	s0 =	rddreg [dreg:$0x4];
	s7 =	srdreg.scid  }
0x6: {  	s1 =	stileid.u32;
	s3 =	simm.s32 $0x0;
	s11 =	simm.s32 $0x1  }
0x7: {  	s12 =	simm.s32 $0x2;
	s13 =	simm.s32 $0x8080;
	s14 =	simm.s32 $0x0  }
0x8: {  	s7 =	sand.u32 $0x1, s7;
	s8 =	sshll.u32 s1, $0x1;
	[smem:$0x7FF] =	sst s3  }
0x9: {  	s8 =	sor.u32 s7, s8;
	_ =	strace $0x80000047;
	s7 =	ssub.s32 $0x2, s7  }
0xa: {  	s9 =	sshll.u32 s8, $0x4;
	s10 =	sshrl.u32 s7, $0x1;
	s8 =	sshll.u32 s8, $0xB  }
0xb: {  	s6 =	sadd.s32 s9, s6;
	s7 =	ssub.s32 s7, s10;
	s4 =	sadd.s32 s4, s8  }
0xc: {  	s5 =	sadd.s32 s5, s9;
	s8 =	simm.s32 $0x4080;
	s9 =	simm.s32 $0x3  }
0xd: {  	s10 =	simm.s32 $0x80;
	s6 =	sadd.s32 $0x400, s6;
	s7 =	smax.u32 s7, $0x1  }
.LBB2_1:
0xe: {  	[tilespmem:s8], [sflag:$0x1] =	stream.linear.gather [hbm4b:s4+s3], $0x4000, $0x38;
	[tilespmem:$0x8100] =	vst v63  }
0xf: {  	_ = 	snop  }
0x10: {  	[tilespmem:s3], [sflag:$0x3] =	stream.linear.gather [hbm4b:s5+s3], $0x80, $0x38;
	[tilespmem:$0x8100] =	vst v63  }
0x11: {  	_ =	swait.ge [sflag:s9], $0x80  }
0x12: {  	[sflag:s9] =	ssyncset.done $0x0  }
0x13: {  	[sflag:s9] =	ssyncadd.s32 $0xFFFFFF80  }
0x14: {  	[tilespmem:s10], [sflag:$0x2] =	stream.indirect.gather [hbm4b:s2+s10], $0x80, s3, s10, $0xb8;
	[tilespmem:$0x8100] =	vst v63  }
0x15: {  	_ =	swait.ge [sflag:s11], $0x4000  }
0x16: {  	[sflag:s11] =	ssyncset.done $0x0  }
0x17: {  	[sflag:s11] =	ssyncadd.s32 $0xFFFFC000  }
0x18: {  	_ =	swait.ge [sflag:s12], $0x4000  }
0x19: {  	[sflag:s12] =	ssyncset.done $0x0  }
0x1a: {  	s15 =	simm.s32 $0x0;
	[sflag:s12] =	ssyncadd.s32 $0xFFFFC000  }
0x1b: {  	v0 =	vld [tilespmem:s15+$0x4160]  }
0x1c: {  	v2 =	vld [tilespmem:s15+$0x160]  }
0x1d: {  	v1 =	vld [tilespmem:s15+$0x4140]  }
0x1e: {  	v3 =	vld [tilespmem:s15+$0x140]  }
0x1f: {  	v4 =	vld [tilespmem:s15+$0x4120]  }
0x20: {  	v5 =	vld [tilespmem:s15+$0x120]  }
0x21: {  	v6 =	vld [tilespmem:s15+$0x4100]  }
0x22: {  	v7 =	vld [tilespmem:s15+$0x100]  }
0x23: {  	v8 =	vld [tilespmem:s15+$0x40E0]  }
0x24: {  	v9 =	vld [tilespmem:s15+$0xE0]  }
0x25: {  	v12 =	vld [tilespmem:s15+$0x40C0]  }
0x26: {  	v13 =	vld [tilespmem:s15+$0xC0]  }
0x27: {  	v14 =	vld [tilespmem:s15+$0x40D0]  }
0x28: {  	v15 =	vld [tilespmem:s15+$0x40A0]  }
0x29: {  	v16 =	vld [tilespmem:s15+$0xA0]  }
0x2a: {  	v17 =	vld [tilespmem:s15+$0x4080]  }
0x2b: {  	v18 =	vld [tilespmem:s15+$0x80]  }
0x2c: {  	v10 =	vimm.f32 $0.0e+00;
	s16 =	simm.s32 $0x400;
	v11 =	vimm.f32 $0.0e+00;
	v19 =	vld [tilespmem:s15+$0x4090]  }
.LBB2_2:
0x2d: {  	p0 =	sne.s32 s16, $0xFC00;
	v20 =	vld [tilespmem:s15+$0x90]  }
0x2e: {  	v21 =	vld [tilespmem:s15+$0x40B0]  }
0x2f: {  	v22 =	vld [tilespmem:s15+$0xB0]  }
0x30: {  	v23 =	vld [tilespmem:s15+$0xD0]  }
0x31: {  	v24 =	vld [tilespmem:s15+$0x40F0]  }
0x32: {  	v17 =	vsub.f32 v17, v18;
	v18 =	vsub.f32 v19, v20;
	v19 =	vld [tilespmem:s15+$0xF0]  }
0x33: {  	v15 =	vsub.f32 v15, v16;
	v16 =	vld [tilespmem:s15+$0x4110]  }
0x34: {  	v17 =	vmul.f32 v17, v17;
	v18 =	vmul.f32 v18, v18;
	v20 =	vsub.f32 v21, v22;
	v21 =	vld [tilespmem:s15+$0x110]  }
0x35: {  	v12 =	vsub.f32 v12, v13;
	v15 =	vmul.f32 v15, v15;
	v13 =	vsub.f32 v14, v23;
	v14 =	vld [tilespmem:s15+$0x4130]  }
0x36: {  	v10 =	vadd.f32 v17, v10;
	v11 =	vadd.f32 v18, v11;
	v17 =	vmul.f32 v20, v20;
	v18 =	vld [tilespmem:s15+$0x130]  }
0x37: {  	v8 =	vsub.f32 v8, v9;
	v12 =	vmul.f32 v12, v12;
	v9 =	vsub.f32 v24, v19;
	v19 =	vld [tilespmem:s15+$0x4150]  }
0x38: {  	v10 =	vadd.f32 v15, v10;
	v13 =	vmul.f32 v13, v13;
	v11 =	vadd.f32 v17, v11;
	v15 =	vld [tilespmem:s15+$0x150]  }
0x39: {  	v6 =	vsub.f32 v6, v7;
	v8 =	vmul.f32 v8, v8;
	v7 =	vsub.f32 v16, v21;
	v16 =	vld [tilespmem:s15+$0x4170]  }
0x3a: {  	v10 =	vadd.f32 v12, v10;
	v9 =	vmul.f32 v9, v9;
	v11 =	vadd.f32 v13, v11;
	v12 =	vld [tilespmem:s15+$0x170];
	s15 =	sshra.s32 s16, $0x2  }
0x3b: {  	v4 =	vsub.f32 v4, v5;
	v6 =	vmul.f32 v6, v6;
	v13 =	vld [tilespmem:s15+$0x4160];
	v5 =	vsub.f32 v14, v18  }
0x3c: {  	v8 =	vadd.f32 v8, v10;
	v7 =	vmul.f32 v7, v7;
	v14 =	vld [tilespmem:s15+$0x160];
	v9 =	vadd.f32 v9, v11  }
0x3d: {  	v10 =	vmul.f32 v4, v4;
	v11 =	vsub.f32 v1, v3;
	v1 =	vld [tilespmem:s15+$0x4140];
	v15 =	vsub.f32 v19, v15  }
0x3e: {  	v6 =	vadd.f32 v6, v8;
	v8 =	vmul.f32 v5, v5;
	v3 =	vld [tilespmem:s15+$0x140];
	v7 =	vadd.f32 v7, v9  }
0x3f: {  	v17 =	vsub.f32 v0, v2;
	v9 =	vmul.f32 v11, v11;
	v4 =	vld [tilespmem:s15+$0x4120];
	v11 =	vsub.f32 v16, v12  }
0x40: {  	v10 =	vadd.f32 v10, v6;
	v12 =	vmul.f32 v15, v15;
	v5 =	vld [tilespmem:s15+$0x120];
	v8 =	vadd.f32 v8, v7;
	v0 =	vmovc v13  }
0x41: {  	v13 =	vmul.f32 v17, v17;
	v6 =	vld [tilespmem:s15+$0x4100];
	v2 =	vmov v14  }
0x42: {  	v10 =	vadd.f32 v9, v10;
	v11 =	vmul.f32 v11, v11;
	v7 =	vld [tilespmem:s15+$0x100];
	v12 =	vadd.f32 v12, v8  }
0x43: {  	v8 =	vld [tilespmem:s15+$0x40E0]  }
0x44: {  	v10 =	vadd.f32 v13, v10;
	v9 =	vld [tilespmem:s15+$0xE0];
	v11 =	vadd.f32 v11, v12  }
0x45: {  	v12 =	vld [tilespmem:s15+$0x40C0]  }
0x46: {  	v13 =	vld [tilespmem:s15+$0xC0]  }
0x47: {  	v14 =	vld [tilespmem:s15+$0x40D0]  }
.Ltmp0:
0x48: {  	v15 =	vld [tilespmem:s15+$0x40A0];
	(pc) =	sbr.rel @p0 .LBB2_2-.Ltmp0, $4  }
0x49: {  	v16 =	vld [tilespmem:s15+$0xA0]  }
0x4a: {  	v17 =	vld [tilespmem:s15+$0x4080]  }
0x4b: {  	v18 =	vld [tilespmem:s15+$0x80]  }
0x4c: {  	s16 =	sadd.s32 $0x400, s16;
	v19 =	vld [tilespmem:s15+$0x4090]  }
0x4d: {  	v20 =	vld [tilespmem:s15+$0x90]  }
0x4e: {  	v21 =	vld [tilespmem:s15+$0x40B0]  }
0x4f: {  	v22 =	vld [tilespmem:s15+$0xB0]  }
0x50: {  	v23 =	vld [tilespmem:s15+$0xD0]  }
0x51: {  	v24 =	vld [tilespmem:s15+$0x40F0]  }
0x52: {  	v46 =	vld [tilespmem:s15+$0xF0];
	v17 =	vsub.f32 v17, v18;
	v45 =	vsub.f32 v19, v20  }
0x53: {  	v47 =	vld [tilespmem:s15+$0x4110];
	v15 =	vsub.f32 v15, v16  }
0x54: {  	v49 =	vld [tilespmem:s15+$0x110];
	v17 =	vmul.f32 v17, v17;
	v48 =	vsub.f32 v21, v22;
	v18 =	vmul.f32 v45, v45  }
0x55: {  	v12 =	vsub.f32 v12, v13;
	v51 =	vld [tilespmem:s15+$0x4130];
	v15 =	vmul.f32 v15, v15;
	v50 =	vsub.f32 v14, v23  }
0x56: {  	v53 =	vld [tilespmem:s15+$0x130];
	v10 =	vadd.f32 v17, v10;
	v52 =	vmul.f32 v48, v48;
	v11 =	vadd.f32 v18, v11  }
0x57: {  	v8 =	vsub.f32 v8, v9;
	v55 =	vld [tilespmem:s15+$0x4150];
	v12 =	vmul.f32 v12, v12;
	v54 =	vsub.f32 v24, v46  }
0x58: {  	v56 =	vld [tilespmem:s15+$0x150];
	v13 =	vmul.f32 v50, v50;
	v10 =	vadd.f32 v15, v10;
	v11 =	vadd.f32 v52, v11  }
0x59: {  	v6 =	vsub.f32 v6, v7;
	v58 =	vld [tilespmem:s15+$0x4170];
	v8 =	vmul.f32 v8, v8;
	v57 =	vsub.f32 v47, v49  }
0x5a: {  	v59 =	vld [tilespmem:s15+$0x170];
	v9 =	vmul.f32 v54, v54;
	v10 =	vadd.f32 v12, v10;
	v11 =	vadd.f32 v13, v11  }
0x5b: {  	v4 =	vsub.f32 v4, v5;
	v6 =	vmul.f32 v6, v6;
	v60 =	vsub.f32 v51, v53  }
0x5c: {  	v7 =	vmul.f32 v57, v57;
	v8 =	vadd.f32 v8, v10;
	v9 =	vadd.f32 v9, v11  }
0x5d: {  	v1 =	vsub.f32 v1, v3;
	v4 =	vmul.f32 v4, v4;
	v61 =	vsub.f32 v55, v56  }
0x5e: {  	v5 =	vmul.f32 v60, v60;
	v6 =	vadd.f32 v6, v8;
	v7 =	vadd.f32 v7, v9  }
0x5f: {  	v0 =	vsub.f32 v0, v2;
	v1 =	vmul.f32 v1, v1;
	v62 =	vsub.f32 v58, v59  }
0x60: {  	v3 =	vmul.f32 v61, v61;
	v4 =	vadd.f32 v4, v6;
	v5 =	vadd.f32 v5, v7  }
0x61: {  	v0 =	vmul.f32 v0, v0  }
0x62: {  	v2 =	vmul.f32 v62, v62;
	v1 =	vadd.f32 v1, v4;
	v3 =	vadd.f32 v3, v5;
	_ =	sdelay $0x1  }
0x63: {  	v0 =	vadd.f32 v0, v1;
	v63 =	vadd.f32 v2, v3;
	_ =	sdelay $0x1  }
0x64: {  	s14 =	sadd.s32 $0x1, s14;
	v0 =	vadd.f32 v63, v0  }
0x65: {  	p0 =	sne.s32 s14, s7  }
.Ltmp1:
0x66: {  	[tilespmem:$0x8080] =	vst v0;
	(pc) =	sbr.rel @p0 .LBB2_1-.Ltmp1, $4  }
0x67: {  	[hbm4b:s6+s3] =	stream.linear.scatter [tilespmem:s13], [sflag:$0x3], $0x80, $0x38;
	[tilespmem:$0x8100] =	vst v63  }
0x68: {  	_ =	swait.ge [sflag:s9], $0x80  }
0x69: {  	[sflag:s9] =	ssyncset.done $0x0  }
0x6a: {  	[sflag:s9] =	ssyncadd.s32 $0xFFFFFF80  }
0x6b: {  	_ =	sfence.sel $0x180000  }
0x6c: {  	[bflag:$0x0] =	sbarrier.arrive $0xFFFF  }
0x6d: {  	p0 =	sne.s32 s1, $0x0;
	_ =	strace $0x90000047  }
0x6e: {  	s0 =	sadd.s32 @!p0 $0x100000, s0;
	[bflag:$0x2] =	sbarrier.arrive $0xFFFF  }
0x6f: {  	[sflag:s0] =	ssyncadd.tile.s32 @!p0 $0x1;
	_ =	shalt  }
.Lfunc_end2:
_tile_overlayer_lowered:
.L_overlay_start_2:
0x70: {  	(tag) =	ssettag $0x2  }
0x71: {  	s0 =	rddreg [dreg:$0x0];
	s2 =	stileid.u32  }
0x72: {  	s1 =	rddreg [dreg:$0x1];
	p0 =	sne.s32 s2, $0x0  }
0x73: {  	s3 =	rddreg [dreg:$0x2];
	[bflag:$0x3] =	sbarrier.arrive $0xFFFF;
	s2 =	simm.s32 @!p0 $0x1C03  }
0x74: {  	[timem:s3], [sflag:s2] =	dma.local @!p0 [hbm:s0], s1  }
0x75: {  	s0 =	simm.s32 @!p0 $0x3  }
0x76: {  	_ =	swait.ge @!p0 [sflag:s0], s1  }
0x77: {  	s1 =	ssub.s32 @!p0 $0x0, s1;
	[sflag:s0] =	ssyncset.done @!p0 $0x0  }
0x78: {  	[sflag:s0] =	ssyncadd.s32 @!p0 s1  }
0x79: {  	[bflag:$0x3] =	sbarrier.arrive $0xFFFF  }
0x7a: {  	_ =	shalt  }

</sc_bundles>
